<compile_context>
chip_gen: v7x
topology: tpu7x:2x2x1
jax: 0.10.2.dev20260603
libtpu: 0.0.44.dev20260713+nightly
codegen_flags: <defaults>
</compile_context>

<pallas_src>
import jax
import jax.numpy as jnp
from jax import lax
from jax.experimental import pallas as pl
from jax.experimental.pallas import tpu as pltpu
from jax.experimental.pallas import tpu_sc as plsc

N = 10000
E = 160000
D = 256
G = 128
HALF = 128

NSUB = 16
CHUNK = 125
EROWS = E // CHUNK
TROWS = EROWS // NSUB
IGRP = 40
TROWS_D = EROWS // (2 * NSUB)
STRIPE = 624
TAILOFF = STRIPE * NSUB
TAIL = N - TAILOFF

_f32 = jnp.float32


def _mesh():
  return plsc.VectorSubcoreMesh(core_axis_name="c", subcore_axis_name="s")


def _stripe_copy(s, src_ref, dst_ref):
  base = pl.multiple_of(s * STRIPE, 8)
  pltpu.sync_copy(src_ref.at[pl.ds(base, STRIPE)], dst_ref.at[pl.ds(base, STRIPE)])

  @pl.when(s == 0)
  def _():
    pltpu.sync_copy(src_ref.at[pl.ds(TAILOFF, TAIL)],
                    dst_ref.at[pl.ds(TAILOFF, TAIL)])


def _prop_body(u0_hbm, u1_hbm, src_hbm, dst_hbm, out0_hbm, out1_hbm,
               acc_sh, sidx_v, didx_v, rows_a, rows_b, sem_a, sem_b):
  c = lax.axis_index("c")
  s = lax.axis_index("s")
  ib = pl.multiple_of(s * TROWS, 8)

  def per_core(fn):
    @pl.when(c == 0)
    def _():
      fn(u0_hbm, out0_hbm)

    @pl.when(c == 1)
    def _():
      fn(u1_hbm, out1_hbm)

  per_core(lambda u_hbm, out_hbm: _stripe_copy(s, u_hbm, acc_sh))
  plsc.subcore_barrier()

  def gather_start(k, rows_v, sem):
    per_core(lambda u_hbm, out_hbm:
             pltpu.async_copy(u_hbm.at[sidx_v.at[k]], rows_v, sem))

  def gather_wait(k, rows_v, sem):
    per_core(lambda u_hbm, out_hbm:
             pltpu.make_async_copy(u_hbm.at[sidx_v.at[k]], rows_v, sem).wait())

  @pl.loop(0, TROWS, step=IGRP)
  def _(jg):
    off = pl.multiple_of(ib + jg, 8)
    pltpu.sync_copy(src_hbm.at[pl.ds(off, IGRP)], sidx_v)
    pltpu.sync_copy(dst_hbm.at[pl.ds(off, IGRP)], didx_v)
    gather_start(0, rows_a, sem_a)

    @pl.loop(0, IGRP, step=2)
    def _(k):
      gather_wait(k, rows_a, sem_a)
      gather_start(k + 1, rows_b, sem_b)
      pltpu.sync_copy(rows_a, acc_sh.at[didx_v.at[k]], add=True)
      gather_wait(k + 1, rows_b, sem_b)

      @pl.when(k + 2 < IGRP)
      def _():
        gather_start(k + 2, rows_a, sem_a)

      pltpu.sync_copy(rows_b, acc_sh.at[didx_v.at[k + 1]], add=True)

  plsc.subcore_barrier()
  per_core(lambda u_hbm, out_hbm: _stripe_copy(s, acc_sh, out_hbm))


@jax.jit
def _sc_propagate(u0, u1, src2d, dst2d):
  run = pl.kernel(
      _prop_body,
      out_type=(jax.ShapeDtypeStruct((N, HALF), _f32),
                jax.ShapeDtypeStruct((N, HALF), _f32)),
      mesh=_mesh(),
      scratch_types=[
          pltpu.VMEM_SHARED((N, HALF), _f32),
          pltpu.VMEM((IGRP, CHUNK), jnp.int32),
          pltpu.VMEM((IGRP, CHUNK), jnp.int32),
          pltpu.VMEM((CHUNK, HALF), _f32),
          pltpu.VMEM((CHUNK, HALF), _f32),
          pltpu.SemaphoreType.DMA,
          pltpu.SemaphoreType.DMA,
      ],
  )
  return run(u0, u1, src2d, dst2d)


def _deg_body(dst_hbm, zeros_hbm, deg0_hbm, deg1_hbm, acc_sh, didx_v, ones_v,
              sem_a, sem_b):
  c = lax.axis_index("c")
  s = lax.axis_index("s")
  ib = pl.multiple_of(c * (EROWS // 2) + s * TROWS_D, 8)
  pltpu.sync_copy(dst_hbm.at[pl.ds(ib, TROWS_D)], didx_v)

  @pl.loop(0, CHUNK)
  def _(r):
    @pl.loop(0, HALF, step=16)
    def _(q):
      ones_v[r, pl.ds(q, 16)] = jnp.full((16,), 1.0, _f32)

  _stripe_copy(s, zeros_hbm, acc_sh)
  plsc.subcore_barrier()

  def deg_scat_start(j, sem):
    pltpu.async_copy(ones_v, acc_sh.at[didx_v.at[j]], sem, add=True)

  def deg_scat_wait(j, sem):
    pltpu.make_async_copy(ones_v, acc_sh.at[didx_v.at[j]], sem).wait()

  deg_scat_start(0, sem_a)
  deg_scat_start(1, sem_b)

  @pl.loop(2, TROWS_D, step=2)
  def _(j):
    deg_scat_wait(j, sem_a)
    deg_scat_start(j, sem_a)
    deg_scat_wait(j + 1, sem_b)
    deg_scat_start(j + 1, sem_b)

  deg_scat_wait(0, sem_a)
  deg_scat_wait(1, sem_b)
  plsc.subcore_barrier()

  @pl.when(c == 0)
  def _():
    _stripe_copy(s, acc_sh, deg0_hbm)

  @pl.when(c == 1)
  def _():
    _stripe_copy(s, acc_sh, deg1_hbm)


@jax.jit
def _sc_degree(dst2d, zeros_half):
  run = pl.kernel(
      _deg_body,
      out_type=(jax.ShapeDtypeStruct((N, HALF), _f32),
                jax.ShapeDtypeStruct((N, HALF), _f32)),
      mesh=_mesh(),
      scratch_types=[
          pltpu.VMEM_SHARED((N, HALF), _f32),
          pltpu.VMEM((TROWS_D, CHUNK), jnp.int32),
          pltpu.VMEM((CHUNK, HALF), _f32),
          pltpu.SemaphoreType.DMA,
          pltpu.SemaphoreType.DMA,
      ],
  )
  return run(dst2d, zeros_half)


ROWB = 2000


def _tc_z0_body(x_ref, w_ref, z_ref):
  z_ref[...] = jnp.dot(x_ref[...].astype(jnp.bfloat16),
                       w_ref[...].astype(jnp.bfloat16),
                       preferred_element_type=_f32)


def _tc_scale_body(z_ref, d_ref, d2_ref, u0_ref, u1_ref, a_ref):
  a = lax.rsqrt(d_ref[:, 0:1] + d2_ref[:, 0:1] + 1.0)
  a_ref[...] = a
  u = a * z_ref[...]
  u0_ref[...] = u[:, :HALF]
  u1_ref[...] = u[:, HALF:]


def _tc_mid_body(s0_ref, s1_ref, a_ref, b_ref, w_ref, u0_ref, u1_ref):
  a = a_ref[...]
  h = jnp.concatenate([s0_ref[...], s1_ref[...]], axis=1)
  h = jnp.maximum(a * h + b_ref[...], 0.0)
  u = a * jnp.dot(h.astype(jnp.bfloat16), w_ref[...].astype(jnp.bfloat16),
                  preferred_element_type=_f32)
  u0_ref[...] = u[:, :HALF]
  u1_ref[...] = u[:, HALF:]


def _tc_final_body(s0_ref, s1_ref, a_ref, b_ref, batch_ref,
                   wl1_ref, bl1_ref, wl2_ref, bl2_ref, out_ref,
                   pooled_sc, cnt_sc):
  i = pl.program_id(0)

  @pl.when(i == 0)
  def _():
    pooled_sc[...] = jnp.zeros_like(pooled_sc)
    cnt_sc[...] = jnp.zeros_like(cnt_sc)

  a = a_ref[...]
  h = jnp.concatenate([s0_ref[...], s1_ref[...]], axis=1)
  h = jnp.maximum(a * h + b_ref[...], 0.0)
  g = batch_ref[0, 0]
  oh = (g[:, None] == lax.broadcasted_iota(jnp.int32, (ROWB, G), 1))
  oh = oh.astype(_f32)
  pooled_sc[...] += lax.dot_general(
      oh, h, (((0,), (0,)), ((), ())), preferred_element_type=_f32)
  cnt_sc[...] += lax.dot_general(
      oh, jnp.ones((ROWB, 1), _f32), (((0,), (0,)), ((), ())),
      preferred_element_type=_f32)

  @pl.when(i == pl.num_programs(0) - 1)
  def _():
    pooled = pooled_sc[...] / jnp.maximum(cnt_sc[...], 1.0)
    p1 = jnp.maximum(
        jnp.dot(pooled, wl1_ref[...], preferred_element_type=_f32)
        + bl1_ref[...], 0.0)
    out_ref[...] = (jnp.dot(p1, wl2_ref[...], preferred_element_type=_f32)
                    + bl2_ref[...])


def _row_specs():
  return [
      pl.BlockSpec((ROWB, HALF), lambda i: (i, 0)),
      pl.BlockSpec((ROWB, HALF), lambda i: (i, 0)),
      pl.BlockSpec((ROWB, 1), lambda i: (i, 0)),
      pl.BlockSpec((1, D), lambda i: (0, 0)),
  ]


@jax.jit
def _tc_z0(x, W):
  return pl.pallas_call(
      _tc_z0_body,
      grid=(N // ROWB,),
      in_specs=[
          pl.BlockSpec((ROWB, D), lambda i: (i, 0)),
          pl.BlockSpec((D, D), lambda i: (0, 0)),
      ],
      out_specs=pl.BlockSpec((ROWB, D), lambda i: (i, 0)),
      out_shape=jax.ShapeDtypeStruct((N, D), _f32),
  )(x, W)


@jax.jit
def _tc_scale(z, deg0, deg1):
  return pl.pallas_call(
      _tc_scale_body,
      grid=(N // ROWB,),
      in_specs=[
          pl.BlockSpec((ROWB, D), lambda i: (i, 0)),
          pl.BlockSpec((ROWB, HALF), lambda i: (i, 0)),
          pl.BlockSpec((ROWB, HALF), lambda i: (i, 0)),
      ],
      out_specs=[pl.BlockSpec((ROWB, HALF), lambda i: (i, 0))] * 2
      + [pl.BlockSpec((ROWB, 1), lambda i: (i, 0))],
      out_shape=[jax.ShapeDtypeStruct((N, HALF), _f32)] * 2
      + [jax.ShapeDtypeStruct((N, 1), _f32)],
  )(z, deg0, deg1)


@jax.jit
def _tc_mid(s0, s1, a2d, b2d, W):
  return pl.pallas_call(
      _tc_mid_body,
      grid=(N // ROWB,),
      in_specs=_row_specs() + [pl.BlockSpec((D, D), lambda i: (0, 0))],
      out_specs=[pl.BlockSpec((ROWB, HALF), lambda i: (i, 0))] * 2,
      out_shape=[jax.ShapeDtypeStruct((N, HALF), _f32)] * 2,
  )(s0, s1, a2d, b2d, W)


@jax.jit
def _tc_final(s0, s1, a2d, b2d, batch3d, Wl1, bl1_2d, Wl2, bl2_2d):
  return pl.pallas_call(
      _tc_final_body,
      grid=(N // ROWB,),
      in_specs=_row_specs() + [
          pl.BlockSpec((1, 1, ROWB), lambda i: (i, 0, 0)),
          pl.BlockSpec((D, HALF), lambda i: (0, 0)),
          pl.BlockSpec((1, HALF), lambda i: (0, 0)),
          pl.BlockSpec((HALF, HALF), lambda i: (0, 0)),
          pl.BlockSpec((1, HALF), lambda i: (0, 0)),
      ],
      out_specs=pl.BlockSpec((G, HALF), lambda i: (0, 0)),
      out_shape=jax.ShapeDtypeStruct((G, G), _f32),
      scratch_shapes=[
          pltpu.VMEM((G, D), _f32),
          pltpu.VMEM((G, 1), _f32),
      ],
  )(s0, s1, a2d, b2d, batch3d, Wl1, bl1_2d, Wl2, bl2_2d)


def kernel(x, edge_index, edge_attr, batch,
           W0, b0, W1, b1, W2, b2, Wl1, bl1, Wl2, bl2):
  del edge_attr
  src2d = edge_index[0].reshape(EROWS, CHUNK)
  dst2d = edge_index[1].reshape(EROWS, CHUNK)
  batch3d = batch.reshape(N // ROWB, 1, ROWB)
  zeros_half = jnp.zeros((N, HALF), _f32)

  deg0, deg1 = _sc_degree(dst2d, zeros_half)
  z0 = _tc_z0(x, W0)
  u0, u1, a2d = _tc_scale(z0, deg0, deg1)
  s0, s1 = _sc_propagate(u0, u1, src2d, dst2d)
  u0, u1 = _tc_mid(s0, s1, a2d, b0.reshape(1, D), W1)
  s0, s1 = _sc_propagate(u0, u1, src2d, dst2d)
  u0, u1 = _tc_mid(s0, s1, a2d, b1.reshape(1, D), W2)
  s0, s1 = _sc_propagate(u0, u1, src2d, dst2d)

  return _tc_final(s0, s1, a2d, b2.reshape(1, D), batch3d,
                   Wl1, bl1.reshape(1, HALF), Wl2, bl2.reshape(1, HALF))

# --- scband reference (transcript-rebuilt; emitter-appended) ---
"""Pipeline reference for scband-theta-gnn-53197464928909 (READ-ONLY COPY).

The authoritative reference and input builder live on the scoring server;
editing this copy changes nothing except your own understanding.
"""

import jax, jax.numpy as jnp
import numpy as np

N, E, D_IN, H, D_EDGE, G, OUT = 10000, 160000, 256, 256, 16, 128, 128

def setup_inputs(seed: int = 0) -> dict:
    key = jax.random.key(seed)
    ks = jax.random.split(key, 20)
    x = jax.random.normal(ks[0], (N, D_IN), dtype=jnp.float32)
    edge_index = jax.random.randint(ks[1], (2, E), 0, N, dtype=jnp.int32)
    edge_attr = jax.random.normal(ks[2], (E, D_EDGE), dtype=jnp.float32)
    batch = jnp.sort(jax.random.randint(ks[3], (N,), 0, G, dtype=jnp.int32))
    def lin(k, fi, fo):
        s = 1.0 / np.sqrt(fi)
        return jax.random.uniform(k, (fi, fo), jnp.float32, -s, s)
    W0 = lin(ks[4], D_IN, H); b0 = jnp.zeros((H,), jnp.float32)
    W1 = lin(ks[5], H, H);    b1 = jnp.zeros((H,), jnp.float32)
    W2 = lin(ks[6], H, H);    b2 = jnp.zeros((H,), jnp.float32)
    Wl1 = lin(ks[7], H, H // 2); bl1 = jnp.zeros((H // 2,), jnp.float32)
    Wl2 = lin(ks[8], H // 2, OUT); bl2 = jnp.zeros((OUT,), jnp.float32)
    return {"x": x, "edge_index": edge_index, "edge_attr": edge_attr, "batch": batch,
            "W0": W0, "b0": b0, "W1": W1, "b1": b1, "W2": W2, "b2": b2,
            "Wl1": Wl1, "bl1": bl1, "Wl2": Wl2, "bl2": bl2}

def gcn_conv(h, edge_index, W, b):
    n = h.shape[0]
    src, dst = edge_index[0], edge_index[1]
    deg = jnp.bincount(dst, length=n).astype(h.dtype) + 1.0  # +1 for self-loop
    norm = jax.lax.rsqrt(deg[src]) * jax.lax.rsqrt(deg[dst])
    msg = h[src] * norm[:, None]
    agg = jax.ops.segment_sum(msg, dst, num_segments=n) + h / deg[:, None]
    return agg @ W + b

def reference(x, edge_index, edge_attr, batch, W0, b0, W1, b1, W2, b2, Wl1, bl1, Wl2, bl2):
    # GCNReLU backbone (default branch); edge_attr is ignored by GCN layers.
    h = jax.nn.relu(gcn_conv(x, edge_index, W0, b0))
    h = jax.nn.relu(gcn_conv(h, edge_index, W1, b1))
    h = jax.nn.relu(gcn_conv(h, edge_index, W2, b2))
    # global mean pooling per graph
    counts = jax.ops.segment_sum(jnp.ones((h.shape[0],), h.dtype), batch, num_segments=G)
    pooled = jax.ops.segment_sum(h, batch, num_segments=G) / jnp.clip(counts, 1.0)[:, None]
    # prediction head: Linear -> ReLU -> Linear
    out = jax.nn.relu(pooled @ Wl1 + bl1) @ Wl2 + bl2
    return out

if __name__ == "__main__":
    import jax
    _d = setup_inputs()
    print(jax.jit(kernel)(*tuple(_d.values())))

</pallas_src>

<mosaic_0001>
#map = affine_map<(d0, d1) -> (0, 0)>
module attributes {stable_mosaic.version = 14 : i64} {
  func.func @_deg_body(%arg0: i32, %arg1: i32, %arg2: memref<1280x125xi32, #tpu.memory_space<hbm>>, %arg3: memref<10000x128xf32, #tpu.memory_space<hbm>>, %arg4: memref<10000x128xf32, #tpu.memory_space<hbm>>, %arg5: memref<10000x128xf32, #tpu.memory_space<hbm>>, %arg6: memref<10000x128xf32, #tpu.memory_space<vmem_shared>>, %arg7: memref<40x125xi32, #tpu.memory_space<vmem>>, %arg8: memref<125x128xf32, #tpu.memory_space<vmem>>, %arg9: memref<!tpu.dma_semaphore, #tpu.memory_space<semaphore_mem>>, %arg10: memref<!tpu.dma_semaphore, #tpu.memory_space<semaphore_mem>>) attributes {dimension_semantics = [#tpu.dimension_semantics<core_parallel>, #tpu.dimension_semantics<subcore_parallel>], iteration_bounds = array<i64: 2, 16>, scalar_prefetch = 0 : i64, scratch_operands = 5 : i64, tpu.core_type = #tpu.core_type<sc_vector_subcore>, window_params = [{transform_indices = #map}, {transform_indices = #map}, {transform_indices = #map}, {transform_indices = #map}]} {
    %mul3A = arith.constant 640 : i32
    %mul3A_0 = arith.muli %arg0, %mul3A : i32
    %mul3A_1 = arith.constant 40 : i32
    %mul3A_2 = arith.muli %arg1, %mul3A_1 : i32
    %add3A = arith.addi %mul3A_0, %mul3A_2 : i32
    %multiple_of3A = tpu.assume_multiple %add3A, 8 : i32
    "tpu.region"() ({
      %run_scoped3A = tpu.sem_alloc : memref<!tpu.dma_semaphore, #tpu.memory_space<semaphore_mem>>
      %dma_start3A_54 = arith.constant 0 : i32
      %dma_start3A_55 = tpu.memref_slice %arg2[%multiple_of3A, %dma_start3A_54] : memref<1280x125xi32, #tpu.memory_space<hbm>> -> memref<40x125xi32, #tpu.memory_space<hbm>>
      %dma_start3A_56 = arith.constant 0 : i32
      %dma_start3A_57 = tpu.memref_slice %arg2[%multiple_of3A, %dma_start3A_56] : memref<1280x125xi32, #tpu.memory_space<hbm>> -> memref<40x125xi32, #tpu.memory_space<hbm>>
      tpu.enqueue_dma source(%dma_start3A_57 : memref<40x125xi32, #tpu.memory_space<hbm>>) target(%arg7 : memref<40x125xi32, #tpu.memory_space<vmem>>) target_semaphore(%run_scoped3A : memref<!tpu.dma_semaphore, #tpu.memory_space<semaphore_mem>>)
      %dma_wait3A_58 = arith.constant 0 : i32
      %dma_wait3A_59 = tpu.memref_slice %arg2[%multiple_of3A, %dma_wait3A_58] : memref<1280x125xi32, #tpu.memory_space<hbm>> -> memref<40x125xi32, #tpu.memory_space<hbm>>
      %dma_wait3A_60 = arith.constant 0 : i32
      %dma_wait3A_61 = tpu.memref_slice %arg2[%multiple_of3A, %dma_wait3A_60] : memref<1280x125xi32, #tpu.memory_space<hbm>> -> memref<40x125xi32, #tpu.memory_space<hbm>>
      tpu.wait_dma2 semaphore(%run_scoped3A : memref<!tpu.dma_semaphore, #tpu.memory_space<semaphore_mem>>) src(%dma_wait3A_61 : memref<40x125xi32, #tpu.memory_space<hbm>>) dst(%arg7 : memref<40x125xi32, #tpu.memory_space<vmem>>)
      tpu.yield
    }) : () -> ()
    %scan3A = arith.constant 0 : i32
    %scan3A_3 = arith.constant 125 : i32
    %scan3A_4 = arith.addi %scan3A, %scan3A_3 : i32
    %scan3A_5 = arith.constant 1 : i32
    scf.for %scan3A_54 = %scan3A to %scan3A_4 step %scan3A_5  : i32 {
      %mul3A_55 = arith.constant 1 : i32
      %mul3A_56 = arith.muli %scan3A_54, %mul3A_55 : i32
      %add3A_57 = arith.constant 0 : i32
      %add3A_58 = arith.addi %add3A_57, %mul3A_56 : i32
      %scan3A_59 = arith.constant 0 : i32
      %scan3A_60 = arith.constant 8 : i32
      %scan3A_61 = arith.addi %scan3A_59, %scan3A_60 : i32
      %scan3A_62 = arith.constant 1 : i32
      scf.for %scan3A_64 = %scan3A_59 to %scan3A_61 step %scan3A_62  : i32 {
        %mul3A_65 = arith.constant 16 : i32
        %mul3A_66 = arith.muli %scan3A_64, %mul3A_65 : i32
        %add3A_67 = arith.constant 0 : i32
        %add3A_68 = arith.addi %add3A_67, %mul3A_66 : i32
        %broadcast_in_dim3A = arith.constant 1.000000e+00 : f32
        %broadcast_in_dim3A_69 = vector.broadcast %broadcast_in_dim3A : f32 to vector<16xf32>
        %swap3A = arith.index_cast %add3A_58 : i32 to index
        %swap3A_70 = arith.index_cast %add3A_68 : i32 to index
        %swap3A_71 = tpu.vector_load %arg8[%swap3A, %swap3A_70] {strides = array<i32>} : memref<125x128xf32, #tpu.memory_space<vmem>>, vector<1x16xf32>,
        %swap3A_72 = vector.shape_cast %swap3A_71 : vector<1x16xf32> to vector<16xf32>
        %swap3A_73 = vector.shape_cast %broadcast_in_dim3A_69 : vector<16xf32> to vector<1x16xf32>
        tpu.vector_store %arg8[%swap3A, %swap3A_70], %swap3A_73 {strides = array<i32>} : memref<125x128xf32, #tpu.memory_space<vmem>>, vector<1x16xf32>,
      }
      %scan3A_63 = arith.constant 8 : i32
    }
    %scan3A_6 = arith.constant 125 : i32
    %mul3A_7 = arith.constant 624 : i32
    %mul3A_8 = arith.muli %arg1, %mul3A_7 : i32
    %multiple_of3A_9 = tpu.assume_multiple %mul3A_8, 8 : i32
    "tpu.region"() ({
      %run_scoped3A = tpu.sem_alloc : memref<!tpu.dma_semaphore, #tpu.memory_space<semaphore_mem>>
      %dma_start3A_54 = arith.constant 0 : i32
      %dma_start3A_55 = tpu.memref_slice %arg6[%multiple_of3A_9, %dma_start3A_54] : memref<10000x128xf32, #tpu.memory_space<vmem_shared>> -> memref<624x128xf32, #tpu.memory_space<vmem_shared>>
      %dma_start3A_56 = arith.constant 0 : i32
      %dma_start3A_57 = tpu.memref_slice %arg3[%multiple_of3A_9, %dma_start3A_56] : memref<10000x128xf32, #tpu.memory_space<hbm>> -> memref<624x128xf32, #tpu.memory_space<hbm>>
      tpu.enqueue_dma source(%dma_start3A_57 : memref<624x128xf32, #tpu.memory_space<hbm>>) target(%dma_start3A_55 : memref<624x128xf32, #tpu.memory_space<vmem_shared>>) target_semaphore(%run_scoped3A : memref<!tpu.dma_semaphore, #tpu.memory_space<semaphore_mem>>)
      %dma_wait3A_58 = arith.constant 0 : i32
      %dma_wait3A_59 = tpu.memref_slice %arg6[%multiple_of3A_9, %dma_wait3A_58] : memref<10000x128xf32, #tpu.memory_space<vmem_shared>> -> memref<624x128xf32, #tpu.memory_space<vmem_shared>>
      %dma_wait3A_60 = arith.constant 0 : i32
      %dma_wait3A_61 = tpu.memref_slice %arg3[%multiple_of3A_9, %dma_wait3A_60] : memref<10000x128xf32, #tpu.memory_space<hbm>> -> memref<624x128xf32, #tpu.memory_space<hbm>>
      tpu.wait_dma2 semaphore(%run_scoped3A : memref<!tpu.dma_semaphore, #tpu.memory_space<semaphore_mem>>) src(%dma_wait3A_61 : memref<624x128xf32, #tpu.memory_space<hbm>>) dst(%dma_wait3A_59 : memref<624x128xf32, #tpu.memory_space<vmem_shared>>)
      tpu.yield
    }) : () -> ()
    %eq3A = arith.constant 0 : i32
    %eq3A_10 = arith.cmpi eq, %arg1, %eq3A : i32
    %convert_element_type3A = arith.extui %eq3A_10 : i1 to i32
    %cond3A = arith.constant 0 : i32
    %cond3A_11 = arith.cmpi ne, %convert_element_type3A, %cond3A : i32
    scf.if %cond3A_11 {
      "tpu.region"() ({
        %run_scoped3A = tpu.sem_alloc : memref<!tpu.dma_semaphore, #tpu.memory_space<semaphore_mem>>
        %dma_start3A_54 = arith.constant 9984 : i32
        %dma_start3A_55 = arith.constant 0 : i32
        %dma_start3A_56 = tpu.memref_slice %arg6[%dma_start3A_54, %dma_start3A_55] : memref<10000x128xf32, #tpu.memory_space<vmem_shared>> -> memref<16x128xf32, #tpu.memory_space<vmem_shared>>
        %dma_start3A_57 = arith.constant 9984 : i32
        %dma_start3A_58 = arith.constant 0 : i32
        %dma_start3A_59 = tpu.memref_slice %arg3[%dma_start3A_57, %dma_start3A_58] : memref<10000x128xf32, #tpu.memory_space<hbm>> -> memref<16x128xf32, #tpu.memory_space<hbm>>
        tpu.enqueue_dma source(%dma_start3A_59 : memref<16x128xf32, #tpu.memory_space<hbm>>) target(%dma_start3A_56 : memref<16x128xf32, #tpu.memory_space<vmem_shared>>) target_semaphore(%run_scoped3A : memref<!tpu.dma_semaphore, #tpu.memory_space<semaphore_mem>>)
        %dma_wait3A_60 = arith.constant 9984 : i32
        %dma_wait3A_61 = arith.constant 0 : i32
        %dma_wait3A_62 = tpu.memref_slice %arg6[%dma_wait3A_60, %dma_wait3A_61] : memref<10000x128xf32, #tpu.memory_space<vmem_shared>> -> memref<16x128xf32, #tpu.memory_space<vmem_shared>>
        %dma_wait3A_63 = arith.constant 9984 : i32
        %dma_wait3A_64 = arith.constant 0 : i32
        %dma_wait3A_65 = tpu.memref_slice %arg3[%dma_wait3A_63, %dma_wait3A_64] : memref<10000x128xf32, #tpu.memory_space<hbm>> -> memref<16x128xf32, #tpu.memory_space<hbm>>
        tpu.wait_dma2 semaphore(%run_scoped3A : memref<!tpu.dma_semaphore, #tpu.memory_space<semaphore_mem>>) src(%dma_wait3A_65 : memref<16x128xf32, #tpu.memory_space<hbm>>) dst(%dma_wait3A_62 : memref<16x128xf32, #tpu.memory_space<vmem_shared>>)
        tpu.yield
      }) : () -> ()
    } else {
    }
    %barrier3A = arith.constant 0 : index
    tpu.barrier barrier_id(%barrier3A)
    %dma_start3A = arith.constant 0 : i32
    %dma_start3A_12 = arith.constant 0 : i32
    %dma_start3A_13 = tpu.memref_slice %arg7[%dma_start3A, %dma_start3A_12] : memref<40x125xi32, #tpu.memory_space<vmem>> -> memref<1x125xi32, #tpu.memory_space<vmem>>
    %dma_start3A_14 = tpu.memref_squeeze %dma_start3A_13 : memref<1x125xi32, #tpu.memory_space<vmem>> -> memref<125xi32, #tpu.memory_space<vmem>>
    %dma_start3A_15 = arith.constant 0 : i32
    %dma_start3A_16 = arith.constant 0 : i32
    %dma_start3A_17 = tpu.memref_slice %arg6[%dma_start3A_15, %dma_start3A_16] : memref<10000x128xf32, #tpu.memory_space<vmem_shared>> -> memref<10000x128xf32, #tpu.memory_space<vmem_shared>>
    tpu.enqueue_indirect_dma source(%arg8 : memref<125x128xf32, #tpu.memory_space<vmem>>) target(%dma_start3A_17 : memref<10000x128xf32, #tpu.memory_space<vmem_shared>>) offsets(%dma_start3A_14 : memref<125xi32, #tpu.memory_space<vmem>>) semaphore(%arg9 : memref<!tpu.dma_semaphore, #tpu.memory_space<semaphore_mem>>) {add = true}
    %dma_start3A_18 = arith.constant 1 : i32
    %dma_start3A_19 = arith.constant 0 : i32
    %dma_start3A_20 = tpu.memref_slice %arg7[%dma_start3A_18, %dma_start3A_19] : memref<40x125xi32, #tpu.memory_space<vmem>> -> memref<1x125xi32, #tpu.memory_space<vmem>>
    %dma_start3A_21 = tpu.memref_squeeze %dma_start3A_20 : memref<1x125xi32, #tpu.memory_space<vmem>> -> memref<125xi32, #tpu.memory_space<vmem>>
    %dma_start3A_22 = arith.constant 0 : i32
    %dma_start3A_23 = arith.constant 0 : i32
    %dma_start3A_24 = tpu.memref_slice %arg6[%dma_start3A_22, %dma_start3A_23] : memref<10000x128xf32, #tpu.memory_space<vmem_shared>> -> memref<10000x128xf32, #tpu.memory_space<vmem_shared>>
    tpu.enqueue_indirect_dma source(%arg8 : memref<125x128xf32, #tpu.memory_space<vmem>>) target(%dma_start3A_24 : memref<10000x128xf32, #tpu.memory_space<vmem_shared>>) offsets(%dma_start3A_21 : memref<125xi32, #tpu.memory_space<vmem>>) semaphore(%arg10 : memref<!tpu.dma_semaphore, #tpu.memory_space<semaphore_mem>>) {add = true}
    %scan3A_25 = arith.constant 0 : i32
    %scan3A_26 = arith.constant 19 : i32
    %scan3A_27 = arith.addi %scan3A_25, %scan3A_26 : i32
    %scan3A_28 = arith.constant 1 : i32
    scf.for %scan3A_54 = %scan3A_25 to %scan3A_27 step %scan3A_28  : i32 {
      %mul3A_55 = arith.constant 2 : i32
      %mul3A_56 = arith.muli %scan3A_54, %mul3A_55 : i32
      %add3A_57 = arith.constant 2 : i32
      %add3A_58 = arith.addi %add3A_57, %mul3A_56 : i32
      %dma_wait3A_59 = arith.constant 0 : i32
      %dma_wait3A_60 = tpu.memref_slice %arg7[%add3A_58, %dma_wait3A_59] : memref<40x125xi32, #tpu.memory_space<vmem>> -> memref<1x125xi32, #tpu.memory_space<vmem>>
      %dma_wait3A_61 = tpu.memref_squeeze %dma_wait3A_60 : memref<1x125xi32, #tpu.memory_space<vmem>> -> memref<125xi32, #tpu.memory_space<vmem>>
      %dma_wait3A_62 = arith.constant 0 : i32
      %dma_wait3A_63 = arith.constant 0 : i32
      %dma_wait3A_64 = tpu.memref_slice %arg6[%dma_wait3A_62, %dma_wait3A_63] : memref<10000x128xf32, #tpu.memory_space<vmem_shared>> -> memref<10000x128xf32, #tpu.memory_space<vmem_shared>>
      tpu.wait_indirect_dma semaphore(%arg9 : memref<!tpu.dma_semaphore, #tpu.memory_space<semaphore_mem>>) src(%arg8 : memref<125x128xf32, #tpu.memory_space<vmem>>) dst(%dma_wait3A_64 : memref<10000x128xf32, #tpu.memory_space<vmem_shared>>)
      %dma_start3A_65 = arith.constant 0 : i32
      %dma_start3A_66 = tpu.memref_slice %arg7[%add3A_58, %dma_start3A_65] : memref<40x125xi32, #tpu.memory_space<vmem>> -> memref<1x125xi32, #tpu.memory_space<vmem>>
      %dma_start3A_67 = tpu.memref_squeeze %dma_start3A_66 : memref<1x125xi32, #tpu.memory_space<vmem>> -> memref<125xi32, #tpu.memory_space<vmem>>
      %dma_start3A_68 = arith.constant 0 : i32
      %dma_start3A_69 = arith.constant 0 : i32
      %dma_start3A_70 = tpu.memref_slice %arg6[%dma_start3A_68, %dma_start3A_69] : memref<10000x128xf32, #tpu.memory_space<vmem_shared>> -> memref<10000x128xf32, #tpu.memory_space<vmem_shared>>
      tpu.enqueue_indirect_dma source(%arg8 : memref<125x128xf32, #tpu.memory_space<vmem>>) target(%dma_start3A_70 : memref<10000x128xf32, #tpu.memory_space<vmem_shared>>) offsets(%dma_start3A_67 : memref<125xi32, #tpu.memory_space<vmem>>) semaphore(%arg9 : memref<!tpu.dma_semaphore, #tpu.memory_space<semaphore_mem>>) {add = true}
      %add3A_71 = arith.constant 1 : i32
      %add3A_72 = arith.addi %add3A_58, %add3A_71 : i32
      %dma_wait3A_73 = arith.constant 0 : i32
      %dma_wait3A_74 = tpu.memref_slice %arg7[%add3A_72, %dma_wait3A_73] : memref<40x125xi32, #tpu.memory_space<vmem>> -> memref<1x125xi32, #tpu.memory_space<vmem>>
      %dma_wait3A_75 = tpu.memref_squeeze %dma_wait3A_74 : memref<1x125xi32, #tpu.memory_space<vmem>> -> memref<125xi32, #tpu.memory_space<vmem>>
      %dma_wait3A_76 = arith.constant 0 : i32
      %dma_wait3A_77 = arith.constant 0 : i32
      %dma_wait3A_78 = tpu.memref_slice %arg6[%dma_wait3A_76, %dma_wait3A_77] : memref<10000x128xf32, #tpu.memory_space<vmem_shared>> -> memref<10000x128xf32, #tpu.memory_space<vmem_shared>>
      tpu.wait_indirect_dma semaphore(%arg10 : memref<!tpu.dma_semaphore, #tpu.memory_space<semaphore_mem>>) src(%arg8 : memref<125x128xf32, #tpu.memory_space<vmem>>) dst(%dma_wait3A_78 : memref<10000x128xf32, #tpu.memory_space<vmem_shared>>)
      %add3A_79 = arith.constant 1 : i32
      %add3A_80 = arith.addi %add3A_58, %add3A_79 : i32
      %dma_start3A_81 = arith.constant 0 : i32
      %dma_start3A_82 = tpu.memref_slice %arg7[%add3A_80, %dma_start3A_81] : memref<40x125xi32, #tpu.memory_space<vmem>> -> memref<1x125xi32, #tpu.memory_space<vmem>>
      %dma_start3A_83 = tpu.memref_squeeze %dma_start3A_82 : memref<1x125xi32, #tpu.memory_space<vmem>> -> memref<125xi32, #tpu.memory_space<vmem>>
      %dma_start3A_84 = arith.constant 0 : i32
      %dma_start3A_85 = arith.constant 0 : i32
      %dma_start3A_86 = tpu.memref_slice %arg6[%dma_start3A_84, %dma_start3A_85] : memref<10000x128xf32, #tpu.memory_space<vmem_shared>> -> memref<10000x128xf32, #tpu.memory_space<vmem_shared>>
      tpu.enqueue_indirect_dma source(%arg8 : memref<125x128xf32, #tpu.memory_space<vmem>>) target(%dma_start3A_86 : memref<10000x128xf32, #tpu.memory_space<vmem_shared>>) offsets(%dma_start3A_83 : memref<125xi32, #tpu.memory_space<vmem>>) semaphore(%arg10 : memref<!tpu.dma_semaphore, #tpu.memory_space<semaphore_mem>>) {add = true}
    }
    %scan3A_29 = arith.constant 19 : i32
    %dma_wait3A = arith.constant 0 : i32
    %dma_wait3A_30 = arith.constant 0 : i32
    %dma_wait3A_31 = tpu.memref_slice %arg7[%dma_wait3A, %dma_wait3A_30] : memref<40x125xi32, #tpu.memory_space<vmem>> -> memref<1x125xi32, #tpu.memory_space<vmem>>
    %dma_wait3A_32 = tpu.memref_squeeze %dma_wait3A_31 : memref<1x125xi32, #tpu.memory_space<vmem>> -> memref<125xi32, #tpu.memory_space<vmem>>
    %dma_wait3A_33 = arith.constant 0 : i32
    %dma_wait3A_34 = arith.constant 0 : i32
    %dma_wait3A_35 = tpu.memref_slice %arg6[%dma_wait3A_33, %dma_wait3A_34] : memref<10000x128xf32, #tpu.memory_space<vmem_shared>> -> memref<10000x128xf32, #tpu.memory_space<vmem_shared>>
    tpu.wait_indirect_dma semaphore(%arg9 : memref<!tpu.dma_semaphore, #tpu.memory_space<semaphore_mem>>) src(%arg8 : memref<125x128xf32, #tpu.memory_space<vmem>>) dst(%dma_wait3A_35 : memref<10000x128xf32, #tpu.memory_space<vmem_shared>>)
    %dma_wait3A_36 = arith.constant 1 : i32
    %dma_wait3A_37 = arith.constant 0 : i32
    %dma_wait3A_38 = tpu.memref_slice %arg7[%dma_wait3A_36, %dma_wait3A_37] : memref<40x125xi32, #tpu.memory_space<vmem>> -> memref<1x125xi32, #tpu.memory_space<vmem>>
    %dma_wait3A_39 = tpu.memref_squeeze %dma_wait3A_38 : memref<1x125xi32, #tpu.memory_space<vmem>> -> memref<125xi32, #tpu.memory_space<vmem>>
    %dma_wait3A_40 = arith.constant 0 : i32
    %dma_wait3A_41 = arith.constant 0 : i32
    %dma_wait3A_42 = tpu.memref_slice %arg6[%dma_wait3A_40, %dma_wait3A_41] : memref<10000x128xf32, #tpu.memory_space<vmem_shared>> -> memref<10000x128xf32, #tpu.memory_space<vmem_shared>>
    tpu.wait_indirect_dma semaphore(%arg10 : memref<!tpu.dma_semaphore, #tpu.memory_space<semaphore_mem>>) src(%arg8 : memref<125x128xf32, #tpu.memory_space<vmem>>) dst(%dma_wait3A_42 : memref<10000x128xf32, #tpu.memory_space<vmem_shared>>)
    %barrier3A_43 = arith.constant 0 : index
    tpu.barrier barrier_id(%barrier3A_43)
    %eq3A_44 = arith.constant 0 : i32
    %eq3A_45 = arith.cmpi eq, %arg0, %eq3A_44 : i32
    %convert_element_type3A_46 = arith.extui %eq3A_45 : i1 to i32
    %cond3A_47 = arith.constant 0 : i32
    %cond3A_48 = arith.cmpi ne, %convert_element_type3A_46, %cond3A_47 : i32
    scf.if %cond3A_48 {
      %mul3A_54 = arith.constant 624 : i32
      %mul3A_55 = arith.muli %arg1, %mul3A_54 : i32
      %multiple_of3A_56 = tpu.assume_multiple %mul3A_55, 8 : i32
      "tpu.region"() ({
        %run_scoped3A = tpu.sem_alloc : memref<!tpu.dma_semaphore, #tpu.memory_space<semaphore_mem>>
        %dma_start3A_62 = arith.constant 0 : i32
        %dma_start3A_63 = tpu.memref_slice %arg4[%multiple_of3A_56, %dma_start3A_62] : memref<10000x128xf32, #tpu.memory_space<hbm>> -> memref<624x128xf32, #tpu.memory_space<hbm>>
        %dma_start3A_64 = arith.constant 0 : i32
        %dma_start3A_65 = tpu.memref_slice %arg6[%multiple_of3A_56, %dma_start3A_64] : memref<10000x128xf32, #tpu.memory_space<vmem_shared>> -> memref<624x128xf32, #tpu.memory_space<vmem_shared>>
        tpu.enqueue_dma source(%dma_start3A_65 : memref<624x128xf32, #tpu.memory_space<vmem_shared>>) target(%dma_start3A_63 : memref<624x128xf32, #tpu.memory_space<hbm>>) target_semaphore(%run_scoped3A : memref<!tpu.dma_semaphore, #tpu.memory_space<semaphore_mem>>)
        %dma_wait3A_66 = arith.constant 0 : i32
        %dma_wait3A_67 = tpu.memref_slice %arg4[%multiple_of3A_56, %dma_wait3A_66] : memref<10000x128xf32, #tpu.memory_space<hbm>> -> memref<624x128xf32, #tpu.memory_space<hbm>>
        %dma_wait3A_68 = arith.constant 0 : i32
        %dma_wait3A_69 = tpu.memref_slice %arg6[%multiple_of3A_56, %dma_wait3A_68] : memref<10000x128xf32, #tpu.memory_space<vmem_shared>> -> memref<624x128xf32, #tpu.memory_space<vmem_shared>>
        tpu.wait_dma2 semaphore(%run_scoped3A : memref<!tpu.dma_semaphore, #tpu.memory_space<semaphore_mem>>) src(%dma_wait3A_69 : memref<624x128xf32, #tpu.memory_space<vmem_shared>>) dst(%dma_wait3A_67 : memref<624x128xf32, #tpu.memory_space<hbm>>)
        tpu.yield
      }) : () -> ()
      %eq3A_57 = arith.constant 0 : i32
      %eq3A_58 = arith.cmpi eq, %arg1, %eq3A_57 : i32
      %convert_element_type3A_59 = arith.extui %eq3A_58 : i1 to i32
      %cond3A_60 = arith.constant 0 : i32
      %cond3A_61 = arith.cmpi ne, %convert_element_type3A_59, %cond3A_60 : i32
      scf.if %cond3A_61 {
        "tpu.region"() ({
          %run_scoped3A = tpu.sem_alloc : memref<!tpu.dma_semaphore, #tpu.memory_space<semaphore_mem>>
          %dma_start3A_62 = arith.constant 9984 : i32
          %dma_start3A_63 = arith.constant 0 : i32
          %dma_start3A_64 = tpu.memref_slice %arg4[%dma_start3A_62, %dma_start3A_63] : memref<10000x128xf32, #tpu.memory_space<hbm>> -> memref<16x128xf32, #tpu.memory_space<hbm>>
          %dma_start3A_65 = arith.constant 9984 : i32
          %dma_start3A_66 = arith.constant 0 : i32
          %dma_start3A_67 = tpu.memref_slice %arg6[%dma_start3A_65, %dma_start3A_66] : memref<10000x128xf32, #tpu.memory_space<vmem_shared>> -> memref<16x128xf32, #tpu.memory_space<vmem_shared>>
          tpu.enqueue_dma source(%dma_start3A_67 : memref<16x128xf32, #tpu.memory_space<vmem_shared>>) target(%dma_start3A_64 : memref<16x128xf32, #tpu.memory_space<hbm>>) target_semaphore(%run_scoped3A : memref<!tpu.dma_semaphore, #tpu.memory_space<semaphore_mem>>)
          %dma_wait3A_68 = arith.constant 9984 : i32
          %dma_wait3A_69 = arith.constant 0 : i32
          %dma_wait3A_70 = tpu.memref_slice %arg4[%dma_wait3A_68, %dma_wait3A_69] : memref<10000x128xf32, #tpu.memory_space<hbm>> -> memref<16x128xf32, #tpu.memory_space<hbm>>
          %dma_wait3A_71 = arith.constant 9984 : i32
          %dma_wait3A_72 = arith.constant 0 : i32
          %dma_wait3A_73 = tpu.memref_slice %arg6[%dma_wait3A_71, %dma_wait3A_72] : memref<10000x128xf32, #tpu.memory_space<vmem_shared>> -> memref<16x128xf32, #tpu.memory_space<vmem_shared>>
          tpu.wait_dma2 semaphore(%run_scoped3A : memref<!tpu.dma_semaphore, #tpu.memory_space<semaphore_mem>>) src(%dma_wait3A_73 : memref<16x128xf32, #tpu.memory_space<vmem_shared>>) dst(%dma_wait3A_70 : memref<16x128xf32, #tpu.memory_space<hbm>>)
          tpu.yield
        }) : () -> ()
      } else {
      }
    } else {
    }
    %eq3A_49 = arith.constant 1 : i32
    %eq3A_50 = arith.cmpi eq, %arg0, %eq3A_49 : i32
    %convert_element_type3A_51 = arith.extui %eq3A_50 : i1 to i32
    %cond3A_52 = arith.constant 0 : i32
    %cond3A_53 = arith.cmpi ne, %convert_element_type3A_51, %cond3A_52 : i32
    scf.if %cond3A_53 {
      %mul3A_54 = arith.constant 624 : i32
      %mul3A_55 = arith.muli %arg1, %mul3A_54 : i32
      %multiple_of3A_56 = tpu.assume_multiple %mul3A_55, 8 : i32
      "tpu.region"() ({
        %run_scoped3A = tpu.sem_alloc : memref<!tpu.dma_semaphore, #tpu.memory_space<semaphore_mem>>
        %dma_start3A_62 = arith.constant 0 : i32
        %dma_start3A_63 = tpu.memref_slice %arg5[%multiple_of3A_56, %dma_start3A_62] : memref<10000x128xf32, #tpu.memory_space<hbm>> -> memref<624x128xf32, #tpu.memory_space<hbm>>
        %dma_start3A_64 = arith.constant 0 : i32
        %dma_start3A_65 = tpu.memref_slice %arg6[%multiple_of3A_56, %dma_start3A_64] : memref<10000x128xf32, #tpu.memory_space<vmem_shared>> -> memref<624x128xf32, #tpu.memory_space<vmem_shared>>
        tpu.enqueue_dma source(%dma_start3A_65 : memref<624x128xf32, #tpu.memory_space<vmem_shared>>) target(%dma_start3A_63 : memref<624x128xf32, #tpu.memory_space<hbm>>) target_semaphore(%run_scoped3A : memref<!tpu.dma_semaphore, #tpu.memory_space<semaphore_mem>>)
        %dma_wait3A_66 = arith.constant 0 : i32
        %dma_wait3A_67 = tpu.memref_slice %arg5[%multiple_of3A_56, %dma_wait3A_66] : memref<10000x128xf32, #tpu.memory_space<hbm>> -> memref<624x128xf32, #tpu.memory_space<hbm>>
        %dma_wait3A_68 = arith.constant 0 : i32
        %dma_wait3A_69 = tpu.memref_slice %arg6[%multiple_of3A_56, %dma_wait3A_68] : memref<10000x128xf32, #tpu.memory_space<vmem_shared>> -> memref<624x128xf32, #tpu.memory_space<vmem_shared>>
        tpu.wait_dma2 semaphore(%run_scoped3A : memref<!tpu.dma_semaphore, #tpu.memory_space<semaphore_mem>>) src(%dma_wait3A_69 : memref<624x128xf32, #tpu.memory_space<vmem_shared>>) dst(%dma_wait3A_67 : memref<624x128xf32, #tpu.memory_space<hbm>>)
        tpu.yield
      }) : () -> ()
      %eq3A_57 = arith.constant 0 : i32
      %eq3A_58 = arith.cmpi eq, %arg1, %eq3A_57 : i32
      %convert_element_type3A_59 = arith.extui %eq3A_58 : i1 to i32
      %cond3A_60 = arith.constant 0 : i32
      %cond3A_61 = arith.cmpi ne, %convert_element_type3A_59, %cond3A_60 : i32
      scf.if %cond3A_61 {
        "tpu.region"() ({
          %run_scoped3A = tpu.sem_alloc : memref<!tpu.dma_semaphore, #tpu.memory_space<semaphore_mem>>
          %dma_start3A_62 = arith.constant 9984 : i32
          %dma_start3A_63 = arith.constant 0 : i32
          %dma_start3A_64 = tpu.memref_slice %arg5[%dma_start3A_62, %dma_start3A_63] : memref<10000x128xf32, #tpu.memory_space<hbm>> -> memref<16x128xf32, #tpu.memory_space<hbm>>
          %dma_start3A_65 = arith.constant 9984 : i32
          %dma_start3A_66 = arith.constant 0 : i32
          %dma_start3A_67 = tpu.memref_slice %arg6[%dma_start3A_65, %dma_start3A_66] : memref<10000x128xf32, #tpu.memory_space<vmem_shared>> -> memref<16x128xf32, #tpu.memory_space<vmem_shared>>
          tpu.enqueue_dma source(%dma_start3A_67 : memref<16x128xf32, #tpu.memory_space<vmem_shared>>) target(%dma_start3A_64 : memref<16x128xf32, #tpu.memory_space<hbm>>) target_semaphore(%run_scoped3A : memref<!tpu.dma_semaphore, #tpu.memory_space<semaphore_mem>>)
          %dma_wait3A_68 = arith.constant 9984 : i32
          %dma_wait3A_69 = arith.constant 0 : i32
          %dma_wait3A_70 = tpu.memref_slice %arg5[%dma_wait3A_68, %dma_wait3A_69] : memref<10000x128xf32, #tpu.memory_space<hbm>> -> memref<16x128xf32, #tpu.memory_space<hbm>>
          %dma_wait3A_71 = arith.constant 9984 : i32
          %dma_wait3A_72 = arith.constant 0 : i32
          %dma_wait3A_73 = tpu.memref_slice %arg6[%dma_wait3A_71, %dma_wait3A_72] : memref<10000x128xf32, #tpu.memory_space<vmem_shared>> -> memref<16x128xf32, #tpu.memory_space<vmem_shared>>
          tpu.wait_dma2 semaphore(%run_scoped3A : memref<!tpu.dma_semaphore, #tpu.memory_space<semaphore_mem>>) src(%dma_wait3A_73 : memref<16x128xf32, #tpu.memory_space<vmem_shared>>) dst(%dma_wait3A_70 : memref<16x128xf32, #tpu.memory_space<hbm>>)
          tpu.yield
        }) : () -> ()
      } else {
      }
    } else {
    }
    return
  }
}

</mosaic_0001>

<sc_bundles>
// kernel: _sc_degree.3.cloned.1.call-start
scs
__scs_entry_jumppad:
0x0: {  	(pc) =	sbr.rel $0x88, $3  }
0x1: {  	(tag) =	ssettag $0x0;
	lr =	simm.s32 $0x1  }
0x2: {  	[smem:$0x3F9F] =	sst lr;
	_ =	strace $0xD0000000  }
0x3: {  	_ = 	snop  }
0x4: {  	_ = 	snop  }
0x5: {  	_ = 	snop  }
0x6: {  	_ = 	snop  }
0x7: {  	_ = 	snop  }
__scs_overlays_trampoline_lowered:
0x8: {  	[smem:$0x3FAE] =	sst s0  }
0x9: {  	[smem:$0x3FAF] =	sst s1  }
0xa: {  	[smem:$0x3FB0] =	sst s2  }
0xb: {  	[smem:$0x3FB1] =	sst s3  }
0xc: {  	[smem:$0x3FB2] =	sst s4  }
0xd: {  	[smem:$0x3FB3] =	sst s5  }
0xe: {  	[smem:$0x3FB4] =	sst s6  }
0xf: {  	[smem:$0x3FB5] =	sst s7  }
0x10: {  	[smem:$0x3FB6] =	sst s8  }
0x11: {  	[smem:$0x3FB7] =	sst s9;
	s0 =	simm.s32 @!p0 $0x0  }
0x12: {  	s1 =	sld [smem:$0x3F9D];
	s0 =	simm.s32 @p0 $0x1  }
0x13: {  	[smem:$0x3FB8] =	sst s0;
	s0 =	simm.s32 @!p1 $0x0  }
0x14: {  	s2 =	sld [smem:$0x3F9C];
	s0 =	simm.s32 @p1 $0x1  }
0x15: {  	[smem:$0x3FB9] =	sst s0;
	s0 =	simm.s32 @!p2 $0x0  }
0x16: {  	s3 =	sld [smem:$0x3FDB];
	s0 =	simm.s32 @p2 $0x1  }
0x17: {  	s4 =	simm.s32 $0x1BF5;
	[smem:$0x3FBB] =	sst s0  }
0x18: {  	s0 =	sld [smem:$0x3F9E];
	_ =	swait.ge [sflag:s4], $0x0  }
0x19: {  	s7 =	sld [smem:$0x3F9F]  }
0x1a: {  	s8 =	sadd.s32 $0xFFFFE003, lr  }
0x1b: {  	s9 =	sadd.s32 $0xFFFFFEF7, lr;
	s5 =	simm.s32 $0xFFFFFFFF;
	p2 =	slt.u32 s8, $0xFFFFF086  }
0x1c: {  	p1 =	slt.u32 s9, $0xF7A;
	s5 =	simm.s32 @!p2 $0x0  }
0x1d: {  	s5 =	simm.s32 @p1 $0x1;
	p0 =	seq.s32 s7, s2  }
0x1e: {  	s7 =	smul.u32 @!p0 $0xF7A, s2;
	p2 =	seq.s32 @!p0 s5, $0x0  }
0x1f: {  	s9 =	smul.u32 $0xF7A, s1;
	s8 =	simm.s32 @!p0 $0x1BF5;
	p2 =	por !p2, p0  }
0x20: {  	[sflag:s8] =	ssyncset.s32 @!p0 $0xFFFFF086;
	s6 =	sadd.s32 @!p0 s3, s7;
	s7 =	simm.s32 @!p0 $0x108  }
0x21: {  	s3 =	sadd.s32 s3, s9;
	s6 =	sadd.s32 @!p0 $0x88, s6;
	s7 =	simm.s32 @p2 $0x1082  }
0x22: {  	[simem:s7], [sflag:s8] =	dma.local @!p0 [hbm:s6], $0xF7A  }
0x23: {  	s9 =	sor.u32 $0xD0000000, s2;
	s6 =	simm.s32 $0x108;
	_ =	swait.ge @!p0 [sflag:s8], $0x0  }
0x24: {  	s3 =	sadd.s32 $0x88, s3;
	s6 =	simm.s32 @!p1 $0x1082;
	[sflag:s4] =	ssyncset.s32 $0xFFFFF086  }
0x25: {  	[simem:s6], [sflag:s4] =	dma.local [hbm:s3], $0xF7A  }
0x26: {  	[smem:$0x3F9F] =	sst s1;
	(tag) =	ssettag s2;
	_ =	strace s9  }
0x27: {  	s1 =	sld [smem:$0x3FAF]  }
0x28: {  	s2 =	sld [smem:$0x3FB0]  }
0x29: {  	s4 =	sld [smem:$0x3FB2]  }
0x2a: {  	p0 =	seq.s32 s5, $0x0;
	s5 =	sld [smem:$0x3FB3]  }
0x2b: {  	s6 =	sld [smem:$0x3FB4]  }
0x2c: {  	s7 =	sld [smem:$0x3FB5]  }
0x2d: {  	s3 =	simm.s32 $0x108;
	s8 =	sld [smem:$0x3FB6]  }
0x2e: {  	s3 =	simm.s32 @!p0 $0x1082;
	s9 =	sld [smem:$0x3FB7]  }
0x2f: {  	lr =	sadd.s32 s0, s3;
	s0 =	sld [smem:$0x3FAE]  }
0x30: {  	s3 =	sld [smem:$0x3FB1]  }
0x31: {  	[smem:$0x3FBA] =	sst s10  }
0x32: {  	s10 =	sld [smem:$0x3FB8];
	_ =	sdelay $0x3  }
0x33: {  	p0 =	seq.s32 s10, $0x1;
	s10 =	sld [smem:$0x3FBA];
	_ =	sdelay $0x3  }
0x34: {  	[smem:$0x3FBA] =	sst s10  }
0x35: {  	s10 =	sld [smem:$0x3FB9];
	_ =	sdelay $0x3  }
0x36: {  	p1 =	seq.s32 s10, $0x1;
	s10 =	sld [smem:$0x3FBA];
	_ =	sdelay $0x3  }
0x37: {  	[smem:$0x3FBA] =	sst s10  }
0x38: {  	s10 =	sld [smem:$0x3FBB]  }
0x39: {  	_ = 	snop;
	(pc) =	sbr.ind lr, $3  }
0x3a: {  	_ = 	snop  }
0x3b: {  	_ = 	snop  }
0x3c: {  	p2 =	seq.s32 s10, $0x1;
	s10 =	sld [smem:$0x3FBA]  }
0x3d: {  	_ =	shalt  }
0x3e: {  	_ =	shalt  }
0x3f: {  	_ =	shalt  }
0x40: {  	_ =	shalt  }
0x41: {  	_ =	shalt  }
0x42: {  	_ =	shalt  }
0x43: {  	_ =	shalt  }
0x44: {  	_ =	shalt  }
0x45: {  	_ =	shalt  }
0x46: {  	_ =	shalt  }
0x47: {  	_ =	shalt  }
0x48: {  	_ =	shalt  }
0x49: {  	_ =	shalt  }
0x4a: {  	_ =	shalt  }
0x4b: {  	_ =	shalt  }
0x4c: {  	_ =	shalt  }
0x4d: {  	_ =	shalt  }
0x4e: {  	_ =	shalt  }
0x4f: {  	_ =	shalt  }
0x50: {  	_ =	shalt  }
0x51: {  	_ =	shalt  }
0x52: {  	_ =	shalt  }
0x53: {  	_ =	shalt  }
0x54: {  	_ =	shalt  }
0x55: {  	_ =	shalt  }
0x56: {  	_ =	shalt  }
0x57: {  	_ =	shalt  }
0x58: {  	_ =	shalt  }
0x59: {  	_ =	shalt  }
0x5a: {  	_ =	shalt  }
0x5b: {  	_ =	shalt  }
0x5c: {  	_ =	shalt  }
0x5d: {  	_ =	shalt  }
0x5e: {  	_ =	shalt  }
0x5f: {  	_ =	shalt  }
0x60: {  	_ =	shalt  }
0x61: {  	_ =	shalt  }
0x62: {  	_ =	shalt  }
0x63: {  	_ =	shalt  }
0x64: {  	_ =	shalt  }
0x65: {  	_ =	shalt  }
0x66: {  	_ =	shalt  }
0x67: {  	_ =	shalt  }
0x68: {  	_ =	shalt  }
0x69: {  	_ =	shalt  }
0x6a: {  	_ =	shalt  }
0x6b: {  	_ =	shalt  }
0x6c: {  	_ =	shalt  }
0x6d: {  	_ =	shalt  }
0x6e: {  	_ =	shalt  }
0x6f: {  	_ =	shalt  }
0x70: {  	_ =	shalt  }
0x71: {  	_ =	shalt  }
0x72: {  	_ =	shalt  }
0x73: {  	_ =	shalt  }
0x74: {  	_ =	shalt  }
0x75: {  	_ =	shalt  }
0x76: {  	_ =	shalt  }
0x77: {  	_ =	shalt  }
0x78: {  	_ =	shalt  }
0x79: {  	_ =	shalt  }
0x7a: {  	_ =	shalt  }
0x7b: {  	_ =	shalt  }
0x7c: {  	_ =	shalt  }
0x7d: {  	_ =	shalt  }
0x7e: {  	_ =	shalt  }
0x7f: {  	_ =	shalt  }
0x80: {  	_ =	shalt  }
0x81: {  	_ =	shalt  }
0x82: {  	_ =	shalt  }
0x83: {  	_ =	shalt  }
0x84: {  	_ =	shalt  }
0x85: {  	_ =	shalt  }
0x86: {  	_ =	shalt  }
0x87: {  	_ =	shalt  }
.Lfunc_end0:
.L_simem_size_0:
called_computation_lowered:
.L_overlay_start_0:
0x88: {  	s2 =	sld [smem:$0x3FD9]  }
0x89: {  	s3 =	sld [smem:$0x3FFE];
	_ =	sdelay $0x1  }
0x8a: {  	s1 =	srdreg.scid  }
0x8b: {  	s0 =	sand.u32 $0x1, s1  }
0x8c: {  	s15 =	sshll.u32 s0, $0xA;
	s2 =	sadd.s32 s3, s2  }
0x8d: {  	s2 =	sadd.s32 s2, s15  }
0x8e: {  	[smem:$0x3FC6] =	sst s2  }
0x8f: {  	_ = 	snop  }
0x90: {  	s2 =	sld [smem:$0x3FD0];
	_ =	sdelay $0x1  }
0x91: {  	s16 =	sld [smem:$0x3FC9]  }
0x92: {  	s5 =	simm.s32 $0xA;
	s6 =	simm.s32 $0x10;
	s4 =	sld [smem:$0x3FC8]  }
0x93: {  	[smem:s6], [sflag:s5] =	dma.local [hbm:s2], $0x1  }
0x94: {  	_ =	swait.eq [sflag:s5], $0x1  }
0x95: {  	[sflag:s5] =	ssyncset.done $0x0  }
0x96: {  	s17 =	sld [smem:$0x10];
	[sflag:s5] =	ssyncadd.s32 $0xFFFFFFFF  }
0x97: {  	s18 =	sld [smem:$0x11];
	(tm) =	ssettm $0x1  }
0x98: {  	s19 =	sld [smem:$0x3FFB];
	_ =	sdelay $0x3  }
0x99: {  	_ =	strace s19  }
0x9a: {  	s6 =	sld [smem:$0x3FFC];
	_ =	sdelay $0x3  }
0x9b: {  	_ =	strace s6  }
0x9c: {  	s6 =	sld [smem:$0x3FFD];
	_ =	sdelay $0x3  }
0x9d: {  	_ =	strace s6  }
0x9e: {  	_ =	strace $0x8FFFFFFF  }
0x9f: {  	s20 =	sld [smem:$0x3FDB];
	_ =	sdelay $0x1  }
0xa0: {  	s7 =	simm.s32 $_scs_section_size  }
0xa1: {  	s8 =	simm.s32 $_size__tile_overlayer_lowered;
	s9 =	simm.s32 $_tile_overlayer_lowered  }
0xa2: {  	s23 =	simm.s32 $0x1BFF;
	s22 =	sshll.u32 s9, $0x1;
	s6 =	sadd.s32 s7, s20  }
0xa3: {  	s10 =	simm.s32 $0x0;
	s21 =	sshll.u32 s8, $0x1;
	s8 =	sadd.s32 s22, s6  }
0xa4: {  	[timem:s10], [sflag:s23] =	dma.local [hbm:s8], s21  }
0xa5: {  	_ =	swait.ge [sflag:s23], s21  }
0xa6: {  	s7 =	ssub.s32 $0x0, s21;
	[sflag:s23] =	ssyncset.done $0x0  }
0xa7: {  	[sflag:s23] =	ssyncadd.s32 s7;
	_ =	sdelay $0x1  }
0xa8: {  	s24 =	simm.s32 $0x1B8B  }
0xa9: {  	_ =	swait.ge [sflag:s24], $0x1  }
0xaa: {  	[sflag:s24] =	ssyncset.done $0x0  }
0xab: {  	s25 =	simm.s32 $0x1B8E;
	[sflag:s24] =	ssyncadd.s32 $0xFFFFFFFF  }
0xac: {  	s26 =	simm.s32 $execute0_lowered;
	[smem:$0x3FD2] =	sst s25  }
0xad: {  	s7 =	sshll.u32 s26, $0x1;
	_ =	strace $0x80000046;
	[dreg:$0x1] =	wrdreg $0xFFFFFFFF  }
0xae: {  	s28 =	simm.s32 $_size_execute0_lowered;
	s6 =	sadd.s32 s6, s7;
	[dreg:$0x0] =	wrdreg $0x0  }
0xaf: {  	s7 =	sshll.u32 s28, $0x1;
	[dreg:$0x2] =	wrdreg s6  }
0xb0: {  	[dreg:$0x3] =	wrdreg s7  }
0xb1: {  	[dreg:$0x4] =	wrdreg $0xC0  }
0xb2: {  	_ =	task [dreg:s10], $0x5FFFF  }
0xb3: {  	[dreg:$0x1] =	wrdreg $0xFFFFFFFF  }
0xb4: {  	[dreg:$0x0] =	wrdreg $0x60  }
0xb5: {  	[dreg:$0x2] =	wrdreg s16  }
0xb6: {  	[dreg:$0x3] =	wrdreg s4  }
0xb7: {  	[dreg:$0x4] =	wrdreg s17  }
0xb8: {  	[dreg:$0x5] =	wrdreg s18  }
0xb9: {  	[dreg:$0x6] =	wrdreg $0x0  }
0xba: {  	[dreg:$0x7] =	wrdreg $0x9  }
0xbb: {  	_ =	task.clear_ibuf [dreg:s10], $0x8FFFF;
	_ =	strace $0x90000046  }
0xbc: {  	s29 =	simm.s32 $0x9;
	_ =	strace $0x80000048  }
0xbd: {  	_ =	swait.ge [sflag:s29], $0x1  }
0xbe: {  	[sflag:s29] =	ssyncadd.s32 $0xFFFFFFFF  }
0xbf: {  	_ =	strace $0x90000048  }
0xc0: {  	_ =	sfence  }
0xc1: {  	s30 =	sld [smem:$0x0];
	_ =	sdelay $0x2  }
0xc2: {  	s31 =	sshll.u32 s1, $0xD;
	s1 =	sshrl.u32 s1, $0x2  }
0xc3: {  	s3 =	sand.u32 $0x4000, s31;
	s1 =	sadd.s32 s1, s30  }
0xc4: {  	s0 =	sor.u32 s3, s0;
	s1 =	sshll.u32 s1, $0x11  }
0xc5: {  	s0 =	sor.u32 s1, s0  }
0xc6: {  	s0 =	sadd.s32 $0x8F2B, s0  }
0xc7: {  	[sflag:s0] =	ssyncadd.remote.s32 $0x1  }
0xc8: {  	_ =	sfence.sel $0xFFFF  }
0xc9: {  	[dreg:$0x0] =	wrdreg $0xFFFFFFFF;
	(pc) =	sbr.abs _section_cstart, $3  }
0xca: {  	[dreg:$0x1] =	wrdreg $0xFFFFFFFF  }
0xcb: {  	_ =	task.clear_ibuf [dreg:s10], $0x2FFFF;
	_ =	strace $0x9FFFFFFF  }
0xcc: {  	(tm) =	ssettm $0x7FFFFFFF  }
0xcd: {  	_ =	shalt  }
tec
execute0_lowered:
.L_overlay_start_1:
0x0: {  	(tag) =	ssettag $0x1  }
0x1: {  	s5 =	rddreg [dreg:$0x0]  }
0x2: {  	s8 =	rddreg [dreg:$0x1]  }
0x3: {  	s0 =	rddreg [dreg:$0x2]  }
0x4: {  	s1 =	rddreg [dreg:$0x3]  }
0x5: {  	s2 =	srdreg.scid;
	s3 =	rddreg [dreg:$0x4]  }
0x6: {  	s22 =	stileid.u32;
	s4 =	simm.s32 $0x0;
	s13 =	simm.s32 $0x3  }
0x7: {  	s17 =	simm.s32 $0x7D;
	s18 =	simm.s32 $0x14C80;
	s19 =	simm.s32 $0x13900  }
0x8: {  	s20 =	simm.s32 $0x1;
	s21 =	simm.s32 $0x2;
	s7 =	smul.u32 $0x280, s22  }
0x9: {  	s9 =	sand.u32 $0x1, s2;
	s2 =	rddreg [dreg:$0x5];
	s11 =	smul.u32 $0x4E000, s22  }
0xa: {  	[smem:$0x7FF] =	sst s4;
	s31 =	smul.u32 $0x2700, s22;
	s14 =	sshll.u32 s22, $0x6  }
0xb: {  	p1 =	sne.s32 s22, $0x0;
	p2 =	seq.s32 s22, $0x0;
	s22 =	simm.s32 $0x0  }
0xc: {  	s6 =	smul.u32 $0x2800, s9;
	s10 =	ssub.s32 $0x2, s9;
	_ =	strace $0x80000047  }
0xd: {  	p0 =	seq.s32 s9, $0x1;
	s14 =	sor.u32 $0x1C03, s14;
	s12 =	sshrl.u32 s10, $0x1  }
.Ltmp0:
0xe: {  	s30 =	sshrl.u32 s11, $0x2;
	s9 =	sadd.s32 s0, s31;
	(pc) =	sbr.rel .LBB2_1-.Ltmp0, $4  }
0xf: {  	s6 =	sadd.s32 s7, s6;
	s12 =	ssub.s32 s10, s12;
	s15 =	sadd.s32 s30, s3  }
0x10: {  	s7 =	sadd.s32 $0x138000, s3;
	s10 =	sadd.s32 s1, s31;
	s5 =	sadd.s32 s5, s6  }
0x11: {  	s6 =	sadd.s32 s8, s31;
	s8 =	sadd.s32 $0x27000, s8;
	s11 =	smax.u32 s12, $0x1  }
0x12: {  	v0 =	vimm.f32 $1.000000000e+00;
	s12 =	simm.s32 $0x13880;
	s15 =	sshrl.u32 s15, $0x3;
	s16 =	sshrl.u32 @!p1 s7, $0x3  }
.LBB2_8:
0x13: {  	s23 =	sadd.s32 $0x27000, s23;
	s24 =	sshrl.u32 s7, $0x3  }
0x14: {  	[hbm:s23], [sflag:s14] =	dma.local [spmem:s24], $0x100  }
0x15: {  	_ =	swait.ge [sflag:s13], $0x100  }
0x16: {  	[sflag:s13] =	ssyncset.done $0x0  }
0x17: {  	[sflag:s13] =	ssyncadd.s32 $0xFFFFFF00  }
.LBB2_9:
0x18: {  	s22 =	sadd.s32 $0x1, s22  }
0x19: {  	p3 =	sne.s32 s22, s11  }
.Ltmp1:
0x1a: {  	_ = 	snop;
	(pc) =	sbr.rel @!p3 .LBB2_10-.Ltmp1, $1  }
0x1b: {  	_ =	sdelay $0x3  }
.LBB2_1:
0x1c: {  	[tilespmem:s12], [sflag:$0x3] =	stream.linear.gather [hbm4b:s5+s4], $0x1400, $0x38;
	[tilespmem:$0x18C80] =	vst v63  }
0x1d: {  	_ =	swait.ge [sflag:s13], $0x1400  }
0x1e: {  	[sflag:s13] =	ssyncset.done $0x0  }
0x1f: {  	s23 =	simm.s32 $0x70;
	s24 =	simm.s32 $0x3C0;
	[sflag:s13] =	ssyncadd.s32 $0xFFFFEC00  }
.LBB2_2:
0x20: {  	p3 =	sne.s32 s24, $0xF9C0;
	[tilespmem:s23+$0x14C80] =	vst v0  }
0x21: {  	[tilespmem:s23+$0x14C10] =	vst v0  }
0x22: {  	[tilespmem:s23+$0x14C20] =	vst v0  }
.Ltmp2:
0x23: {  	[tilespmem:s23+$0x14C30] =	vst v0;
	(pc) =	sbr.rel @p3 .LBB2_2-.Ltmp2, $4  }
0x24: {  	[tilespmem:s23+$0x14C40] =	vst v0  }
0x25: {  	[tilespmem:s23+$0x14C50] =	vst v0  }
0x26: {  	[tilespmem:s23+$0x14C60] =	vst v0  }
0x27: {  	[tilespmem:s23+$0x14C70] =	vst v0;
	s23 =	sshra.s32 s24, $0x2;
	s24 =	sadd.s32 $0x200, s24  }
0x28: {  	[tilespmem:s23+$0x14C80] =	vst v0  }
0x29: {  	[tilespmem:s23+$0x14C10] =	vst v0  }
0x2a: {  	[tilespmem:s23+$0x14C20] =	vst v0  }
0x2b: {  	[tilespmem:s23+$0x14C30] =	vst v0  }
0x2c: {  	[tilespmem:s23+$0x14C40] =	vst v0  }
0x2d: {  	[tilespmem:s23+$0x14C50] =	vst v0  }
0x2e: {  	[tilespmem:s23+$0x14C60] =	vst v0  }
0x2f: {  	[tilespmem:s23+$0x14C70] =	vst v0  }
0x30: {  	[spmem:s15], [sflag:s14] =	dma.local [hbm:s6], $0x2700  }
0x31: {  	_ =	swait.ge [sflag:s13], $0x2700  }
0x32: {  	[sflag:s13] =	ssyncset.done $0x0  }
0x33: {  	s23 =	simm.s32 @!p1 $0x3;
	[sflag:s13] =	ssyncadd.s32 $0xFFFFD900  }
0x34: {  	[spmem:s16], [sflag:s14] =	dma.local @!p1 [hbm:s8], $0x100  }
0x35: {  	_ =	swait.ge @!p1 [sflag:s23], $0x100  }
0x36: {  	[sflag:s23] =	ssyncset.done @!p1 $0x0  }
0x37: {  	[sflag:s23] =	ssyncadd.s32 @!p1 $0xFFFFFF00  }
0x38: {  	[bflag:$0x0] =	sbarrier.arrive $0xFFFF  }
0x39: {  	[spmem:s3] =	stream.indirect.scatter.add.f32 [tilespmem:s18], [sflag:$0x1], $0x80, s12, s17, $0xb8;
	[tilespmem:$0x18C80] =	vst v63  }
0x3a: {  	_ = 	snop  }
0x3b: {  	[spmem:s3] =	stream.indirect.scatter.add.f32 [tilespmem:s18], [sflag:$0x2], $0x80, s19, s17, $0xb8;
	[tilespmem:$0x18C80] =	vst v63  }
0x3c: {  	_ =	swait.ge [sflag:s20], $0x3E80  }
0x3d: {  	[sflag:s20] =	ssyncset.done $0x0  }
0x3e: {  	s31 =	simm.s32 $0x13980;
	[sflag:s20] =	ssyncadd.s32 $0xFFFFC180  }
0x3f: {  	[spmem:s3] =	stream.indirect.scatter.add.f32 [tilespmem:s18], [sflag:$0x1], $0x80, s31, s17, $0xb8;
	[tilespmem:$0x18C80] =	vst v63  }
0x40: {  	_ =	swait.ge [sflag:s21], $0x3E80  }
0x41: {  	[sflag:s21] =	ssyncset.done $0x0  }
0x42: {  	s24 =	simm.s32 $0x13A00;
	s23 =	simm.s32 $0xFFFFB800;
	[sflag:s21] =	ssyncadd.s32 $0xFFFFC180  }
.LBB2_4:
0x43: {  	[spmem:s3] =	stream.indirect.scatter.add.f32 [tilespmem:s18], [sflag:$0x2], $0x80, s24, s17, $0xb8;
	[tilespmem:$0x18C80] =	vst v63  }
0x44: {  	s24 =	smov.u32 s23  }
0x45: {  	p3 =	sne.s32 s23, $0xFFFFFC00;
	s23 =	sadd.s32 $0x400, s23;
	_ =	swait.ge [sflag:s20], $0x3E80  }
0x46: {  	s24 =	sshra.s32 s24, $0x2;
	[sflag:s20] =	ssyncset.done $0x0  }
.Ltmp3:
0x47: {  	s25 =	sadd.s32 $0x14C80, s24;
	[sflag:s20] =	ssyncadd.s32 $0xFFFFC180;
	(pc) =	sbr.rel @p3 .LBB2_4-.Ltmp3, $4  }
0x48: {  	[spmem:s3] =	stream.indirect.scatter.add.f32 [tilespmem:s18], [sflag:$0x1], $0x80, s25, s17, $0xb8;
	[tilespmem:$0x18C80] =	vst v63  }
0x49: {  	_ =	swait.ge [sflag:s21], $0x3E80  }
0x4a: {  	[sflag:s21] =	ssyncset.done $0x0  }
0x4b: {  	s24 =	sadd.s32 $0x14D00, s24;
	[sflag:s21] =	ssyncadd.s32 $0xFFFFC180  }
0x4c: {  	[spmem:s3] =	stream.indirect.scatter.add.f32 [tilespmem:s18], [sflag:$0x2], $0x80, s24, s17, $0xb8;
	[tilespmem:$0x18C80] =	vst v63  }
0x4d: {  	_ =	swait.ge [sflag:s20], $0x3E80  }
0x4e: {  	[sflag:s20] =	ssyncset.done $0x0  }
0x4f: {  	[sflag:s20] =	ssyncadd.s32 $0xFFFFC180  }
.Ltmp4:
0x50: {  	_ =	swait.ge [sflag:s21], $0x3E80;
	(pc) =	sbr.rel @!p0 .LBB2_6-.Ltmp4, $3  }
0x51: {  	[sflag:s21] =	ssyncset.done $0x0  }
0x52: {  	[sflag:s21] =	ssyncadd.s32 $0xFFFFC180  }
0x53: {  	[bflag:$0x0] =	sbarrier.arrive $0xFFFF;
	_ =	sdelay $0x1  }
0x54: {  	[hbm:s10], [sflag:s14] =	dma.local [spmem:s15], $0x2700  }
.Ltmp5:
0x55: {  	_ = 	snop;
	(pc) =	sbr.rel @p1 .LBB2_9-.Ltmp5, $4  }
.Ltmp6:
0x56: {  	_ = 	snop;
	(pc) =	sbr.rel @!p1 .LBB2_8-.Ltmp6, $4  }
0x57: {  	_ =	swait.ge [sflag:s13], $0x2700  }
0x58: {  	[sflag:s13] =	ssyncset.done $0x0  }
0x59: {  	s23 =	smov.u32 s1;
	[sflag:s13] =	ssyncadd.s32 $0xFFFFD900  }
0x5a: {  	_ = 	snop  }
.LBB2_6:
0x5b: {  	[hbm:s9], [sflag:s14] =	dma.local [spmem:s15], $0x2700  }
.Ltmp7:
0x5c: {  	_ = 	snop;
	(pc) =	sbr.rel @!p2 .LBB2_9-.Ltmp7, $4  }
.Ltmp8:
0x5d: {  	_ = 	snop;
	(pc) =	sbr.rel @p2 .LBB2_8-.Ltmp8, $4  }
0x5e: {  	_ =	swait.ge [sflag:s13], $0x2700  }
0x5f: {  	[sflag:s13] =	ssyncset.done $0x0  }
0x60: {  	s23 =	smov.u32 s0;
	[sflag:s13] =	ssyncadd.s32 $0xFFFFD900  }
0x61: {  	_ = 	snop  }
.LBB2_10:
0x62: {  	_ =	sfence.sel $0x180000  }
0x63: {  	[bflag:$0x0] =	sbarrier.arrive $0xFFFF  }
0x64: {  	_ =	strace $0x90000047  }
0x65: {  	s0 =	sadd.s32 @!p1 $0x100000, s2;
	[bflag:$0x2] =	sbarrier.arrive $0xFFFF  }
0x66: {  	[sflag:s0] =	ssyncadd.tile.s32 @!p1 $0x1;
	_ =	shalt  }
.Lfunc_end2:
_tile_overlayer_lowered:
.L_overlay_start_2:
0x67: {  	(tag) =	ssettag $0x2  }
0x68: {  	s0 =	rddreg [dreg:$0x0];
	s2 =	stileid.u32  }
0x69: {  	s1 =	rddreg [dreg:$0x1];
	p0 =	sne.s32 s2, $0x0  }
0x6a: {  	s3 =	rddreg [dreg:$0x2];
	[bflag:$0x3] =	sbarrier.arrive $0xFFFF;
	s2 =	simm.s32 @!p0 $0x1C03  }
0x6b: {  	[timem:s3], [sflag:s2] =	dma.local @!p0 [hbm:s0], s1  }
0x6c: {  	s0 =	simm.s32 @!p0 $0x3  }
0x6d: {  	_ =	swait.ge @!p0 [sflag:s0], s1  }
0x6e: {  	s1 =	ssub.s32 @!p0 $0x0, s1;
	[sflag:s0] =	ssyncset.done @!p0 $0x0  }
0x6f: {  	[sflag:s0] =	ssyncadd.s32 @!p0 s1  }
0x70: {  	[bflag:$0x3] =	sbarrier.arrive $0xFFFF  }
0x71: {  	_ =	shalt  }

</sc_bundles>
